<compile_context>
chip_gen: v7x
topology: tpu7x:2x2x1
jax: 0.10.2.dev20260603
libtpu: 0.0.44.dev20260713+nightly
codegen_flags: <defaults>
</compile_context>

<pallas_src>
import math
import functools

import jax
import jax.numpy as jnp
from jax import lax
from jax.experimental import pallas as pl
from jax.experimental.pallas import tpu as pltpu

_BN = 1280


def _mil_body(n_valid, nblocks, thr_ref, xyft_ref, x_ref, o_ref, acc_ref, cnt_ref):
    j = pl.program_id(0)

    @pl.when(j == 0)
    def _init():
        acc_ref[...] = jnp.zeros_like(acc_ref)
        cnt_ref[...] = jnp.zeros_like(cnt_ref)

    cx = thr_ref[:, 0:1]
    cy = thr_ref[:, 1:2]
    cf = thr_ref[:, 2:3]
    tx = xyft_ref[0:1, :]
    ty = xyft_ref[1:2, :]

    bn = xyft_ref.shape[1]
    lane = lax.broadcasted_iota(jnp.int32, (1, bn), 1) + j * bn
    tf = jnp.where(lane < n_valid, xyft_ref[2:3, :], jnp.nan)

    dx = cx - tx
    dy = cy - ty
    dist = jnp.sqrt(dx * dx + dy * dy) + jnp.abs(cf - tf)

    minv = jnp.min(dist, axis=0, keepdims=True)
    onehot = jnp.where(dist == minv, 1.0, 0.0).astype(jnp.bfloat16)

    row = lax.broadcasted_iota(jnp.int32, (bn, 1), 0) + j * bn
    xv = jnp.where(row < n_valid, x_ref[...], 0.0)

    acc_ref[...] += jnp.dot(onehot, xv.astype(jnp.bfloat16),
                            preferred_element_type=jnp.float32)
    cnt_ref[...] += jnp.dot(onehot, jnp.ones((bn, 128), jnp.bfloat16),
                            preferred_element_type=jnp.float32)

    @pl.when(j == nblocks - 1)
    def _fin():
        o_ref[...] = acc_ref[...] / jnp.maximum(cnt_ref[:, 0:1], 1.0)


def _assign_pool(thr, xyf_t, x, n_valid, interpret=False):
    m = thr.shape[0]
    n, d = x.shape
    nblocks = (n + _BN - 1) // _BN
    body = functools.partial(_mil_body, n_valid, nblocks)
    return pl.pallas_call(
        body,
        grid=(nblocks,),
        in_specs=[
            pl.BlockSpec((m, 3), lambda j: (0, 0)),
            pl.BlockSpec((3, _BN), lambda j: (0, j)),
            pl.BlockSpec((_BN, d), lambda j: (j, 0)),
        ],
        out_specs=pl.BlockSpec((m, d), lambda j: (0, 0)),
        out_shape=jax.ShapeDtypeStruct((m, d), jnp.float32),
        scratch_shapes=[
            pltpu.VMEM((m, d), jnp.float32),
            pltpu.VMEM((m, 128), jnp.float32),
        ],
        interpret=interpret,
    )(thr, xyf_t, x)


def kernel(x, x_y_index, weight_1):
    n = x.shape[0]
    fitness = (x * weight_1).sum(axis=-1)
    fitness = jnp.tanh(fitness / jnp.linalg.norm(weight_1, ord=2, axis=-1))
    x_y_fitness = jnp.concatenate([x_y_index, fitness[:, None]], axis=-1)
    sort_idx = jnp.argsort(fitness)
    step = int(math.ceil(n / (n * 0.1)))
    thr_idx = sort_idx[::step]
    thr = x_y_fitness[thr_idx]

    xyf_t = x_y_fitness.T
    return _assign_pool(thr, xyf_t, x, n)

# --- scband reference (transcript-rebuilt; emitter-appended) ---
"""Pipeline reference for scband-mil-15178414424101 (READ-ONLY COPY).

The authoritative reference and input builder live on the scoring server;
editing this copy changes nothing except your own understanding.
"""

import jax, jax.numpy as jnp
import numpy as np
import math

N = 20000
D = 256
RATIO = 0.1


def euclidean_dist(x, y):
    # faithful port of the torch euclidean_dist: xy-plane L2 distance plus |fitness| distance
    x_xy = x[:, 0:2]
    y_xy = y[:, 0:2]
    dist_xy = jnp.sqrt(((x_xy[:, None, :] - y_xy[None, :, :]) ** 2).sum(-1))
    x_f = x[:, 2:3]
    y_f = y[:, 2:3]
    dist_f = jnp.sqrt(((x_f[:, None, :] - y_f[None, :, :]) ** 2).sum(-1))
    return dist_xy + dist_f


def setup_inputs(seed: int = 0) -> dict:
    key = jax.random.key(seed)
    k1, k2, k3 = jax.random.split(key, 3)
    x = jax.random.normal(k1, (N, D), dtype=jnp.float32)
    x_y_index = jax.random.uniform(k2, (N, 2), dtype=jnp.float32) * 100.0
    bound = 1.0 / math.sqrt(D)
    weight_1 = jax.random.uniform(k3, (1, D), minval=-bound, maxval=bound, dtype=jnp.float32)
    return {"x": x, "x_y_index": x_y_index, "weight_1": weight_1}


def reference(x, x_y_index, weight_1):
    n = x.shape[0]
    # fitness score per node (IHPool level-1 path)
    fitness = (x * weight_1).sum(axis=-1)
    fitness = jnp.tanh(fitness / jnp.linalg.norm(weight_1, ord=2, axis=-1))
    x_y_fitness = jnp.concatenate([x_y_index, fitness[:, None]], axis=-1)
    # inter-selection of threshold (centroid) nodes by sorted fitness with stride ceil(1/ratio)
    sort_idx = jnp.argsort(fitness)
    step = int(math.ceil(n / (n * RATIO)))
    thr_idx = sort_idx[::step]
    m = thr_idx.shape[0]
    threshold_x_y_fitness = x_y_fitness[thr_idx]
    # kNN (k=1) assignment: each node -> nearest threshold centroid under the custom metric
    dist = euclidean_dist(threshold_x_y_fitness, x_y_fitness)  # [M, N]
    cluster = jnp.argmin(dist, axis=0)  # == torch.sort(dist, 0)[1][0]
    # scatter-mean pooling of node features by cluster
    ones = jnp.ones((n,), dtype=jnp.float32)
    counts = jax.ops.segment_sum(ones, cluster, num_segments=m)
    counts = jnp.maximum(counts, 1.0)
    new_x = jax.ops.segment_sum(x, cluster, num_segments=m) / counts[:, None]
    return new_x

if __name__ == "__main__":
    import jax
    _d = setup_inputs()
    print(jax.jit(kernel)(*tuple(_d.values())))

</pallas_src>

<mosaic_0001>
module attributes {stable_mosaic.version = 14 : i64} {
  func.func @_mil_body(%arg0: i32, %arg1: memref<2000x3xf32, #tpu.memory_space<vmem>>, %arg2: memref<3x1280xf32, #tpu.memory_space<vmem>>, %arg3: memref<1280x256xf32, #tpu.memory_space<vmem>>, %arg4: memref<2000x256xf32, #tpu.memory_space<vmem>>, %arg5: memref<2000x256xf32, #tpu.memory_space<vmem>>, %arg6: memref<2000x128xf32, #tpu.memory_space<vmem>>) attributes {dimension_semantics = [#tpu.dimension_semantics<arbitrary>], iteration_bounds = array<i64: 16>, scalar_prefetch = 0 : i64, scratch_operands = 2 : i64, tpu.core_type = #tpu.core_type<tc>, window_params = [{pipeline_mode = #tpu.pipeline_mode<synchronous>, transform_indices = @transform_0, window_bounds = array<i64: 2000, 3>}, {transform_indices = @transform_1, window_bounds = array<i64: 3, 1280>}, {transform_indices = @transform_2, window_bounds = array<i64: 1280, 256>}, {pipeline_mode = #tpu.pipeline_mode<synchronous>, transform_indices = @transform_3, window_bounds = array<i64: 2000, 256>}]} {
    %eq3A = arith.constant 0 : i32
    %eq3A_0 = arith.cmpi eq, %arg0, %eq3A : i32
    %convert_element_type3A = arith.extui %eq3A_0 : i1 to i32
    %cond3A = arith.constant 0 : i32
    %cond3A_1 = arith.cmpi ne, %convert_element_type3A, %cond3A : i32
    scf.if %cond3A_1 {
      %broadcast_in_dim3A_85 = arith.constant 0.000000e+00 : f32
      %broadcast_in_dim3A_86 = vector.broadcast %broadcast_in_dim3A_85 : f32 to vector<2000x256xf32>
      %swap3A_87 = arith.constant 0 : index
      %swap3A_88 = arith.constant 0 : index
      %swap3A_89 = vector.load %arg5[%swap3A_87, %swap3A_88] : memref<2000x256xf32, #tpu.memory_space<vmem>>, vector<2000x256xf32>
      tpu.vector_store %arg5[%swap3A_87, %swap3A_88], %broadcast_in_dim3A_86 {strides = array<i32>} : memref<2000x256xf32, #tpu.memory_space<vmem>>, vector<2000x256xf32>,
      %broadcast_in_dim3A_90 = arith.constant 0.000000e+00 : f32
      %broadcast_in_dim3A_91 = vector.broadcast %broadcast_in_dim3A_90 : f32 to vector<2000x128xf32>
      %swap3A_92 = arith.constant 0 : index
      %swap3A_93 = arith.constant 0 : index
      %swap3A_94 = vector.load %arg6[%swap3A_92, %swap3A_93] : memref<2000x128xf32, #tpu.memory_space<vmem>>, vector<2000x128xf32>
      tpu.vector_store %arg6[%swap3A_92, %swap3A_93], %broadcast_in_dim3A_91 {strides = array<i32>} : memref<2000x128xf32, #tpu.memory_space<vmem>>, vector<2000x128xf32>,
    } else {
    }
    %get3A = arith.constant 0 : index
    %get3A_2 = arith.constant 0 : index
    %get3A_3 = vector.load %arg1[%get3A, %get3A_2] : memref<2000x3xf32, #tpu.memory_space<vmem>>, vector<2000x1xf32>
    %get3A_4 = arith.constant 0 : index
    %get3A_5 = arith.constant 1 : index
    %get3A_6 = vector.load %arg1[%get3A_4, %get3A_5] : memref<2000x3xf32, #tpu.memory_space<vmem>>, vector<2000x1xf32>
    %get3A_7 = arith.constant 0 : index
    %get3A_8 = arith.constant 2 : index
    %get3A_9 = vector.load %arg1[%get3A_7, %get3A_8] : memref<2000x3xf32, #tpu.memory_space<vmem>>, vector<2000x1xf32>
    %get3A_10 = arith.constant 0 : index
    %get3A_11 = arith.constant 0 : index
    %get3A_12 = vector.load %arg2[%get3A_10, %get3A_11] : memref<3x1280xf32, #tpu.memory_space<vmem>>, vector<1x1280xf32>
    %get3A_13 = arith.constant 1 : index
    %get3A_14 = arith.constant 0 : index
    %get3A_15 = vector.load %arg2[%get3A_13, %get3A_14] : memref<3x1280xf32, #tpu.memory_space<vmem>>, vector<1x1280xf32>
    %iota3A = tpu.iota {dimensions = array<i32: 1>} : vector<1x1280xi32>
    %mul3A = arith.constant 1280 : i32
    %mul3A_16 = arith.muli %arg0, %mul3A : i32
    %add3A = vector.broadcast %mul3A_16 : i32 to vector<1x1280xi32>
    %add3A_17 = arith.addi %iota3A, %add3A : vector<1x1280xi32>
    %lt3A = arith.constant 20000 : i32
    %lt3A_18 = vector.broadcast %lt3A : i32 to vector<1x1280xi32>
    %lt3A_19 = arith.cmpi slt, %add3A_17, %lt3A_18 : vector<1x1280xi32>
    %get3A_20 = arith.constant 2 : index
    %get3A_21 = arith.constant 0 : index
    %get3A_22 = vector.load %arg2[%get3A_20, %get3A_21] : memref<3x1280xf32, #tpu.memory_space<vmem>>, vector<1x1280xf32>
    %jit3A = arith.constant 0x7FC00000 : f32
    %broadcast_in_dim3A = vector.broadcast %jit3A : f32 to vector<1x1280xf32>
    %select_n3A = arith.select %lt3A_19, %get3A_22, %broadcast_in_dim3A : vector<1x1280xi1>, vector<1x1280xf32>
    %sub3A = vector.broadcast %get3A_3 : vector<2000x1xf32> to vector<2000x1280xf32>
    %sub3A_23 = vector.broadcast %get3A_12 : vector<1x1280xf32> to vector<2000x1280xf32>
    %sub3A_24 = arith.subf %sub3A, %sub3A_23 : vector<2000x1280xf32>
    %sub3A_25 = vector.broadcast %get3A_6 : vector<2000x1xf32> to vector<2000x1280xf32>
    %sub3A_26 = vector.broadcast %get3A_15 : vector<1x1280xf32> to vector<2000x1280xf32>
    %sub3A_27 = arith.subf %sub3A_25, %sub3A_26 : vector<2000x1280xf32>
    %mul3A_28 = arith.mulf %sub3A_24, %sub3A_24 : vector<2000x1280xf32>
    %mul3A_29 = arith.mulf %sub3A_27, %sub3A_27 : vector<2000x1280xf32>
    %add3A_30 = arith.addf %mul3A_28, %mul3A_29 : vector<2000x1280xf32>
    %sqrt3A = math.sqrt %add3A_30 : vector<2000x1280xf32>
    %sub3A_31 = vector.broadcast %get3A_9 : vector<2000x1xf32> to vector<2000x1280xf32>
    %sub3A_32 = vector.broadcast %select_n3A : vector<1x1280xf32> to vector<2000x1280xf32>
    %sub3A_33 = arith.subf %sub3A_31, %sub3A_32 : vector<2000x1280xf32>
    %abs3A = math.absf %sub3A_33 : vector<2000x1280xf32>
    %add3A_34 = arith.addf %sqrt3A, %abs3A : vector<2000x1280xf32>
    %reduce_min3A = arith.constant dense<0x7F800000> : vector<1280xf32>
    %reduce_min3A_35 = vector.multi_reduction <minimumf>, %add3A_34, %reduce_min3A [0] : vector<2000x1280xf32> to vector<1280xf32>
    %broadcast_in_dim3A_36 = vector.shape_cast %reduce_min3A_35 : vector<1280xf32> to vector<1x1280xf32>
    %eq3A_37 = vector.broadcast %broadcast_in_dim3A_36 : vector<1x1280xf32> to vector<2000x1280xf32>
    %eq3A_38 = arith.cmpf oeq, %add3A_34, %eq3A_37 : vector<2000x1280xf32>
    %jit3A_39 = arith.constant 1.000000e+00 : f32
    %jit3A_40 = arith.constant 0.000000e+00 : f32
    %broadcast_in_dim3A_41 = vector.broadcast %jit3A_39 : f32 to vector<2000x1280xf32>
    %broadcast_in_dim3A_42 = vector.broadcast %jit3A_40 : f32 to vector<2000x1280xf32>
    %select_n3A_43 = arith.select %eq3A_38, %broadcast_in_dim3A_41, %broadcast_in_dim3A_42 : vector<2000x1280xi1>, vector<2000x1280xf32>
    %convert_element_type3A_44 = arith.truncf %select_n3A_43 : vector<2000x1280xf32> to vector<2000x1280xbf16>
    %iota3A_45 = tpu.iota {dimensions = array<i32: 0>} : vector<1280x1xi32>
    %mul3A_46 = arith.constant 1280 : i32
    %mul3A_47 = arith.muli %arg0, %mul3A_46 : i32
    %add3A_48 = vector.broadcast %mul3A_47 : i32 to vector<1280x1xi32>
    %add3A_49 = arith.addi %iota3A_45, %add3A_48 : vector<1280x1xi32>
    %lt3A_50 = arith.constant 20000 : i32
    %lt3A_51 = vector.broadcast %lt3A_50 : i32 to vector<1280x1xi32>
    %lt3A_52 = arith.cmpi slt, %add3A_49, %lt3A_51 : vector<1280x1xi32>
    %get3A_53 = arith.constant 0 : index
    %get3A_54 = arith.constant 0 : index
    %get3A_55 = vector.load %arg3[%get3A_53, %get3A_54] : memref<1280x256xf32, #tpu.memory_space<vmem>>, vector<1280x256xf32>
    %jit3A_56 = arith.constant 0.000000e+00 : f32
    %broadcast_in_dim3A_57 = vector.shape_cast %lt3A_52 : vector<1280x1xi1> to vector<1280x1xi1>
    %broadcast_in_dim3A_58 = vector.broadcast %broadcast_in_dim3A_57 : vector<1280x1xi1> to vector<1280x256xi1>
    %broadcast_in_dim3A_59 = vector.broadcast %jit3A_56 : f32 to vector<1280x256xf32>
    %select_n3A_60 = arith.select %broadcast_in_dim3A_58, %get3A_55, %broadcast_in_dim3A_59 : vector<1280x256xi1>, vector<1280x256xf32>
    %get3A_61 = arith.constant 0 : index
    %get3A_62 = arith.constant 0 : index
    %get3A_63 = vector.load %arg5[%get3A_61, %get3A_62] : memref<2000x256xf32, #tpu.memory_space<vmem>>, vector<2000x256xf32>
    %convert_element_type3A_64 = arith.truncf %select_n3A_60 : vector<1280x256xf32> to vector<1280x256xbf16>
    %dot_general3A = arith.constant dense<0.000000e+00> : vector<2000x256xf32>
    %dot_general3A_65 = tpu.matmul %convert_element_type3A_44, %convert_element_type3A_64, %dot_general3A {dimension_numbers = #tpu.dot_dimension_numbers<[1], [0], [0], [1], [0, 0, 1, 1], [], []>, transpose_lhs_hint = false} : vector<2000x1280xbf16>, vector<1280x256xbf16>, vector<2000x256xf32> -> vector<2000x256xf32>
    %add3A_66 = arith.addf %get3A_63, %dot_general3A_65 : vector<2000x256xf32>
    %swap3A = arith.constant 0 : index
    %swap3A_67 = arith.constant 0 : index
    %swap3A_68 = vector.load %arg5[%swap3A, %swap3A_67] : memref<2000x256xf32, #tpu.memory_space<vmem>>, vector<2000x256xf32>
    tpu.vector_store %arg5[%swap3A, %swap3A_67], %add3A_66 {strides = array<i32>} : memref<2000x256xf32, #tpu.memory_space<vmem>>, vector<2000x256xf32>,
    %get3A_69 = arith.constant 0 : index
    %get3A_70 = arith.constant 0 : index
    %get3A_71 = vector.load %arg6[%get3A_69, %get3A_70] : memref<2000x128xf32, #tpu.memory_space<vmem>>, vector<2000x128xf32>
    %broadcast_in_dim3A_72 = arith.constant 1.000000e+00 : bf16
    %broadcast_in_dim3A_73 = vector.broadcast %broadcast_in_dim3A_72 : bf16 to vector<1280x128xbf16>
    %dot_general3A_74 = arith.constant dense<0.000000e+00> : vector<2000x128xf32>
    %dot_general3A_75 = tpu.matmul %convert_element_type3A_44, %broadcast_in_dim3A_73, %dot_general3A_74 {dimension_numbers = #tpu.dot_dimension_numbers<[1], [0], [0], [1], [0, 0, 1, 1], [], []>, transpose_lhs_hint = false} : vector<2000x1280xbf16>, vector<1280x128xbf16>, vector<2000x128xf32> -> vector<2000x128xf32>
    %add3A_76 = arith.addf %get3A_71, %dot_general3A_75 : vector<2000x128xf32>
    %swap3A_77 = arith.constant 0 : index
    %swap3A_78 = arith.constant 0 : index
    %swap3A_79 = vector.load %arg6[%swap3A_77, %swap3A_78] : memref<2000x128xf32, #tpu.memory_space<vmem>>, vector<2000x128xf32>
    tpu.vector_store %arg6[%swap3A_77, %swap3A_78], %add3A_76 {strides = array<i32>} : memref<2000x128xf32, #tpu.memory_space<vmem>>, vector<2000x128xf32>,
    %eq3A_80 = arith.constant 15 : i32
    %eq3A_81 = arith.cmpi eq, %arg0, %eq3A_80 : i32
    %convert_element_type3A_82 = arith.extui %eq3A_81 : i1 to i32
    %cond3A_83 = arith.constant 0 : i32
    %cond3A_84 = arith.cmpi ne, %convert_element_type3A_82, %cond3A_83 : i32
    scf.if %cond3A_84 {
      %get3A_85 = arith.constant 0 : index
      %get3A_86 = arith.constant 0 : index
      %get3A_87 = vector.load %arg5[%get3A_85, %get3A_86] : memref<2000x256xf32, #tpu.memory_space<vmem>>, vector<2000x256xf32>
      %get3A_88 = arith.constant 0 : index
      %get3A_89 = arith.constant 0 : index
      %get3A_90 = vector.load %arg6[%get3A_88, %get3A_89] : memref<2000x128xf32, #tpu.memory_space<vmem>>, vector<2000x1xf32>
      %max3A = arith.constant 1.000000e+00 : f32
      %max3A_91 = vector.broadcast %max3A : f32 to vector<2000x1xf32>
      %max3A_92 = arith.maximumf %get3A_90, %max3A_91 : vector<2000x1xf32>
      %div3A = vector.broadcast %max3A_92 : vector<2000x1xf32> to vector<2000x256xf32>
      %div3A_93 = arith.divf %get3A_87, %div3A : vector<2000x256xf32>
      %swap3A_94 = arith.constant 0 : index
      %swap3A_95 = arith.constant 0 : index
      %swap3A_96 = vector.load %arg4[%swap3A_94, %swap3A_95] : memref<2000x256xf32, #tpu.memory_space<vmem>>, vector<2000x256xf32>
      tpu.vector_store %arg4[%swap3A_94, %swap3A_95], %div3A_93 {strides = array<i32>} : memref<2000x256xf32, #tpu.memory_space<vmem>>, vector<2000x256xf32>,
    } else {
    }
    return
  }
  func.func @transform_0(%arg0: i32) -> (i32, i32) {
    %c0_i32 = arith.constant 0 : i32
    %c0_i32_0 = arith.constant 0 : i32
    %c0_i32_1 = arith.constant 0 : i32
    return %c0_i32, %c0_i32_0 : i32, i32
  }
  func.func @transform_1(%arg0: i32) -> (i32, i32) {
    %c0_i32 = arith.constant 0 : i32
    %c0_i32_0 = arith.constant 0 : i32
    return %c0_i32, %arg0 : i32, i32
  }
  func.func @transform_2(%arg0: i32) -> (i32, i32) {
    %c0_i32 = arith.constant 0 : i32
    %c0_i32_0 = arith.constant 0 : i32
    return %arg0, %c0_i32 : i32, i32
  }
  func.func @transform_3(%arg0: i32) -> (i32, i32) {
    %c0_i32 = arith.constant 0 : i32
    %c0_i32_0 = arith.constant 0 : i32
    %c0_i32_1 = arith.constant 0 : i32
    return %c0_i32, %c0_i32_0 : i32, i32
  }
}

</mosaic_0001>

<sc_bundles>
// kernel: gather_offload_async_start
scs
__scs_entry_jumppad:
0x0: {  	(pc) =	sbr.rel $0x88, $3  }
0x1: {  	(tag) =	ssettag $0x0;
	lr =	simm.s32 $0x1  }
0x2: {  	[smem:$0x3F9E] =	sst lr;
	_ =	strace $0xD0000000  }
0x3: {  	_ = 	snop  }
0x4: {  	_ = 	snop  }
0x5: {  	_ = 	snop  }
0x6: {  	_ = 	snop  }
0x7: {  	_ = 	snop  }
__scs_overlays_trampoline_lowered:
0x8: {  	[smem:$0x3FAD] =	sst s0  }
0x9: {  	[smem:$0x3FAE] =	sst s1  }
0xa: {  	[smem:$0x3FAF] =	sst s2  }
0xb: {  	[smem:$0x3FB0] =	sst s3  }
0xc: {  	[smem:$0x3FB1] =	sst s4  }
0xd: {  	[smem:$0x3FB2] =	sst s5  }
0xe: {  	[smem:$0x3FB3] =	sst s6  }
0xf: {  	[smem:$0x3FB4] =	sst s7  }
0x10: {  	[smem:$0x3FB5] =	sst s8  }
0x11: {  	[smem:$0x3FB6] =	sst s9;
	s0 =	simm.s32 @!p0 $0x0  }
0x12: {  	s1 =	sld [smem:$0x3F9C];
	s0 =	simm.s32 @p0 $0x1  }
0x13: {  	[smem:$0x3FB7] =	sst s0;
	s0 =	simm.s32 @!p1 $0x0  }
0x14: {  	s2 =	sld [smem:$0x3F9B];
	s0 =	simm.s32 @p1 $0x1  }
0x15: {  	[smem:$0x3FB8] =	sst s0;
	s0 =	simm.s32 @!p2 $0x0  }
0x16: {  	s3 =	sld [smem:$0x3FDB];
	s0 =	simm.s32 @p2 $0x1  }
0x17: {  	s4 =	simm.s32 $0x1BF5;
	[smem:$0x3FBA] =	sst s0  }
0x18: {  	s0 =	sld [smem:$0x3F9D];
	_ =	swait.ge [sflag:s4], $0x0  }
0x19: {  	s7 =	sld [smem:$0x3F9E]  }
0x1a: {  	s8 =	sadd.s32 $0xFFFFE003, lr  }
0x1b: {  	s9 =	sadd.s32 $0xFFFFFEF7, lr;
	s5 =	simm.s32 $0xFFFFFFFF;
	p2 =	slt.u32 s8, $0xFFFFF086  }
0x1c: {  	p1 =	slt.u32 s9, $0xF7A;
	s5 =	simm.s32 @!p2 $0x0  }
0x1d: {  	s5 =	simm.s32 @p1 $0x1;
	p0 =	seq.s32 s7, s2  }
0x1e: {  	s7 =	smul.u32 @!p0 $0xF7A, s2;
	p2 =	seq.s32 @!p0 s5, $0x0  }
0x1f: {  	s9 =	smul.u32 $0xF7A, s1;
	s8 =	simm.s32 @!p0 $0x1BF5;
	p2 =	por !p2, p0  }
0x20: {  	[sflag:s8] =	ssyncset.s32 @!p0 $0xFFFFF086;
	s6 =	sadd.s32 @!p0 s3, s7;
	s7 =	simm.s32 @!p0 $0x108  }
0x21: {  	s3 =	sadd.s32 s3, s9;
	s6 =	sadd.s32 @!p0 $0x88, s6;
	s7 =	simm.s32 @p2 $0x1082  }
0x22: {  	[simem:s7], [sflag:s8] =	dma.local @!p0 [hbm:s6], $0xF7A  }
0x23: {  	s9 =	sor.u32 $0xD0000000, s2;
	s6 =	simm.s32 $0x108;
	_ =	swait.ge @!p0 [sflag:s8], $0x0  }
0x24: {  	s3 =	sadd.s32 $0x88, s3;
	s6 =	simm.s32 @!p1 $0x1082;
	[sflag:s4] =	ssyncset.s32 $0xFFFFF086  }
0x25: {  	[simem:s6], [sflag:s4] =	dma.local [hbm:s3], $0xF7A  }
0x26: {  	[smem:$0x3F9E] =	sst s1;
	(tag) =	ssettag s2;
	_ =	strace s9  }
0x27: {  	s1 =	sld [smem:$0x3FAE]  }
0x28: {  	s2 =	sld [smem:$0x3FAF]  }
0x29: {  	s4 =	sld [smem:$0x3FB1]  }
0x2a: {  	p0 =	seq.s32 s5, $0x0;
	s5 =	sld [smem:$0x3FB2]  }
0x2b: {  	s6 =	sld [smem:$0x3FB3]  }
0x2c: {  	s7 =	sld [smem:$0x3FB4]  }
0x2d: {  	s3 =	simm.s32 $0x108;
	s8 =	sld [smem:$0x3FB5]  }
0x2e: {  	s3 =	simm.s32 @!p0 $0x1082;
	s9 =	sld [smem:$0x3FB6]  }
0x2f: {  	lr =	sadd.s32 s0, s3;
	s0 =	sld [smem:$0x3FAD]  }
0x30: {  	s3 =	sld [smem:$0x3FB0]  }
0x31: {  	[smem:$0x3FB9] =	sst s10  }
0x32: {  	s10 =	sld [smem:$0x3FB7];
	_ =	sdelay $0x3  }
0x33: {  	p0 =	seq.s32 s10, $0x1;
	s10 =	sld [smem:$0x3FB9];
	_ =	sdelay $0x3  }
0x34: {  	[smem:$0x3FB9] =	sst s10  }
0x35: {  	s10 =	sld [smem:$0x3FB8];
	_ =	sdelay $0x3  }
0x36: {  	p1 =	seq.s32 s10, $0x1;
	s10 =	sld [smem:$0x3FB9];
	_ =	sdelay $0x3  }
0x37: {  	[smem:$0x3FB9] =	sst s10  }
0x38: {  	s10 =	sld [smem:$0x3FBA]  }
0x39: {  	_ = 	snop;
	(pc) =	sbr.ind lr, $3  }
0x3a: {  	_ = 	snop  }
0x3b: {  	_ = 	snop  }
0x3c: {  	p2 =	seq.s32 s10, $0x1;
	s10 =	sld [smem:$0x3FB9]  }
0x3d: {  	_ =	shalt  }
0x3e: {  	_ =	shalt  }
0x3f: {  	_ =	shalt  }
0x40: {  	_ =	shalt  }
0x41: {  	_ =	shalt  }
0x42: {  	_ =	shalt  }
0x43: {  	_ =	shalt  }
0x44: {  	_ =	shalt  }
0x45: {  	_ =	shalt  }
0x46: {  	_ =	shalt  }
0x47: {  	_ =	shalt  }
0x48: {  	_ =	shalt  }
0x49: {  	_ =	shalt  }
0x4a: {  	_ =	shalt  }
0x4b: {  	_ =	shalt  }
0x4c: {  	_ =	shalt  }
0x4d: {  	_ =	shalt  }
0x4e: {  	_ =	shalt  }
0x4f: {  	_ =	shalt  }
0x50: {  	_ =	shalt  }
0x51: {  	_ =	shalt  }
0x52: {  	_ =	shalt  }
0x53: {  	_ =	shalt  }
0x54: {  	_ =	shalt  }
0x55: {  	_ =	shalt  }
0x56: {  	_ =	shalt  }
0x57: {  	_ =	shalt  }
0x58: {  	_ =	shalt  }
0x59: {  	_ =	shalt  }
0x5a: {  	_ =	shalt  }
0x5b: {  	_ =	shalt  }
0x5c: {  	_ =	shalt  }
0x5d: {  	_ =	shalt  }
0x5e: {  	_ =	shalt  }
0x5f: {  	_ =	shalt  }
0x60: {  	_ =	shalt  }
0x61: {  	_ =	shalt  }
0x62: {  	_ =	shalt  }
0x63: {  	_ =	shalt  }
0x64: {  	_ =	shalt  }
0x65: {  	_ =	shalt  }
0x66: {  	_ =	shalt  }
0x67: {  	_ =	shalt  }
0x68: {  	_ =	shalt  }
0x69: {  	_ =	shalt  }
0x6a: {  	_ =	shalt  }
0x6b: {  	_ =	shalt  }
0x6c: {  	_ =	shalt  }
0x6d: {  	_ =	shalt  }
0x6e: {  	_ =	shalt  }
0x6f: {  	_ =	shalt  }
0x70: {  	_ =	shalt  }
0x71: {  	_ =	shalt  }
0x72: {  	_ =	shalt  }
0x73: {  	_ =	shalt  }
0x74: {  	_ =	shalt  }
0x75: {  	_ =	shalt  }
0x76: {  	_ =	shalt  }
0x77: {  	_ =	shalt  }
0x78: {  	_ =	shalt  }
0x79: {  	_ =	shalt  }
0x7a: {  	_ =	shalt  }
0x7b: {  	_ =	shalt  }
0x7c: {  	_ =	shalt  }
0x7d: {  	_ =	shalt  }
0x7e: {  	_ =	shalt  }
0x7f: {  	_ =	shalt  }
0x80: {  	_ =	shalt  }
0x81: {  	_ =	shalt  }
0x82: {  	_ =	shalt  }
0x83: {  	_ =	shalt  }
0x84: {  	_ =	shalt  }
0x85: {  	_ =	shalt  }
0x86: {  	_ =	shalt  }
0x87: {  	_ =	shalt  }
.Lfunc_end0:
.L_simem_size_0:
called_computation_lowered:
.L_overlay_start_0:
0x88: {  	s0 =	sld [smem:$0x3FD9]  }
0x89: {  	s1 =	sld [smem:$0x3FFE];
	_ =	sdelay $0x3  }
0x8a: {  	s0 =	sadd.s32 s1, s0  }
0x8b: {  	[smem:$0x3FC5] =	sst s0  }
0x8c: {  	_ = 	snop  }
0x8d: {  	s0 =	sld [smem:$0x3FD0];
	(tm) =	ssettm $0x1  }
0x8e: {  	s16 =	sld [smem:$0x3FFB];
	_ =	sdelay $0x3  }
0x8f: {  	_ =	strace s16  }
0x90: {  	s1 =	sld [smem:$0x3FFC];
	_ =	sdelay $0x3  }
0x91: {  	_ =	strace s1  }
0x92: {  	s1 =	sld [smem:$0x3FFD];
	_ =	sdelay $0x3  }
0x93: {  	_ =	strace s1  }
0x94: {  	_ =	strace $0x8FFFFFFF  }
0x95: {  	s17 =	sld [smem:$0x3FDB];
	_ =	sdelay $0x1  }
0x96: {  	s2 =	simm.s32 $_scs_section_size  }
0x97: {  	s3 =	simm.s32 $_size__tile_overlayer_lowered;
	s4 =	simm.s32 $_tile_overlayer_lowered  }
0x98: {  	s20 =	simm.s32 $0x1BFF;
	s19 =	sshll.u32 s4, $0x1;
	s1 =	sadd.s32 s2, s17  }
0x99: {  	s5 =	simm.s32 $0x0;
	s18 =	sshll.u32 s3, $0x1;
	s3 =	sadd.s32 s19, s1  }
0x9a: {  	[timem:s5], [sflag:s20] =	dma.local [hbm:s3], s18  }
0x9b: {  	_ =	swait.ge [sflag:s20], s18  }
0x9c: {  	s2 =	ssub.s32 $0x0, s18;
	[sflag:s20] =	ssyncset.done $0x0  }
0x9d: {  	[sflag:s20] =	ssyncadd.s32 s2;
	_ =	sdelay $0x1  }
0x9e: {  	s21 =	simm.s32 $0x1B8B  }
0x9f: {  	_ =	swait.ge [sflag:s21], $0x1  }
0xa0: {  	[sflag:s21] =	ssyncset.done $0x0  }
0xa1: {  	s23 =	simm.s32 $0x1B8E;
	s22 =	sld [smem:$0x3FFE];
	[sflag:s21] =	ssyncadd.s32 $0xFFFFFFFF  }
0xa2: {  	s24 =	simm.s32 $execute0_lowered;
	[smem:$0x3FD2] =	sst s23  }
0xa3: {  	s3 =	sshll.u32 s24, $0x1;
	_ =	strace $0x80000046;
	[dreg:$0x1] =	wrdreg $0xFFFFFFFF  }
0xa4: {  	s25 =	simm.s32 $_size_execute0_lowered;
	s1 =	sadd.s32 s1, s3;
	[dreg:$0x0] =	wrdreg $0x0  }
0xa5: {  	s3 =	sshll.u32 s25, $0x1;
	[dreg:$0x2] =	wrdreg s1  }
0xa6: {  	[dreg:$0x3] =	wrdreg s3  }
0xa7: {  	[dreg:$0x4] =	wrdreg $0xC0  }
0xa8: {  	_ =	task [dreg:s5], $0x5FFFF  }
0xa9: {  	[dreg:$0x1] =	wrdreg $0xFFFFFFFF  }
0xaa: {  	[dreg:$0x0] =	wrdreg $0x60  }
0xab: {  	[dreg:$0x2] =	wrdreg s22  }
0xac: {  	[dreg:$0x3] =	wrdreg s0  }
0xad: {  	[dreg:$0x4] =	wrdreg $0x9  }
0xae: {  	_ =	task.clear_ibuf [dreg:s5], $0x5FFFF;
	_ =	strace $0x90000046  }
0xaf: {  	s26 =	simm.s32 $0x9;
	_ =	strace $0x80000048  }
0xb0: {  	_ =	swait.ge [sflag:s26], $0x1  }
0xb1: {  	[sflag:s26] =	ssyncadd.s32 $0xFFFFFFFF  }
0xb2: {  	_ =	strace $0x90000048  }
0xb3: {  	_ =	sfence  }
0xb4: {  	s28 =	sld [smem:$0x0];
	_ =	sdelay $0x1  }
0xb5: {  	s29 =	srdreg.scid  }
0xb6: {  	s30 =	sshll.u32 s29, $0xD;
	s31 =	sshrl.u32 s29, $0x2  }
0xb7: {  	s2 =	sand.u32 $0x4000, s30;
	s1 =	sand.u32 $0x1, s29;
	s0 =	sadd.s32 s31, s28  }
0xb8: {  	s1 =	sor.u32 s2, s1;
	s0 =	sshll.u32 s0, $0x11  }
0xb9: {  	s0 =	sor.u32 s0, s1  }
0xba: {  	s0 =	sadd.s32 $0x8F2B, s0  }
0xbb: {  	[sflag:s0] =	ssyncadd.remote.s32 $0x1  }
0xbc: {  	_ =	sfence.sel $0xFFFF  }
0xbd: {  	[dreg:$0x0] =	wrdreg $0xFFFFFFFF;
	(pc) =	sbr.abs _section_cstart, $3  }
0xbe: {  	[dreg:$0x1] =	wrdreg $0xFFFFFFFF  }
0xbf: {  	_ =	task.clear_ibuf [dreg:s5], $0x2FFFF;
	_ =	strace $0x9FFFFFFF  }
0xc0: {  	(tm) =	ssettm $0x7FFFFFFF  }
0xc1: {  	_ =	shalt  }
tec
execute0_lowered:
.L_overlay_start_1:
0x0: {  	(tag) =	ssettag $0x1  }
0x1: {  	s0 =	stileid.u32  }
0x2: {  	s1 =	smin.u32 s0, $0x9  }
0x3: {  	s1 =	sadd.s32 s0, s1  }
0x4: {  	s2 =	simm.s32 $0xA0;
	p0 =	slt.u32 s0, $0x9;
	s1 =	smul.u32 $0x50, s1  }
0x5: {  	s2 =	simm.s32 @!p0 $0x50  }
0x6: {  	s2 =	sadd.s32 s2, s1  }
0x7: {  	s3 =	smin.u32 s2, $0x7D0  }
0x8: {  	s7 =	ssub.s32 s3, s1  }
0x9: {  	p0 =	sgt.s32 s7, $0x0  }
0xa: {  	s7 =	simm.s32 @!p0 $0x0  }
0xb: {  	s4 =	rddreg [dreg:$0x0];
	s31 =	smul.u32 $0xCCCD, s7  }
0xc: {  	s5 =	rddreg [dreg:$0x1]  }
0xd: {  	s6 =	simm.s32 $0x1;
	s10 =	simm.s32 $0x3;
	s8 =	sshrl.u32 s31, $0x16  }
0xe: {  	s13 =	simm.s32 $0x0;
	s12 =	simm.s32 $0x0;
	s9 =	smul.u32 $0x50, s8  }
.Ltmp0:
0xf: {  	s11 =	smov.u32 s1;
	s2 =	rddreg [dreg:$0x2];
	(pc) =	sbr.rel .LBB2_1-.Ltmp0, $4  }
0x10: {  	_ =	strace $0x80000047;
	p0 =	sne.s32 s7, s9;
	s9 =	simm.s32 $0x1  }
0x11: {  	[sflag:s6] =	ssyncpa.u1 $0x0;
	s7 =	simm.s32 $0x2;
	s9 =	simm.s32 @!p0 $0x0  }
0x12: {  	[sflag:s7] =	ssyncpa.u1 $0x0;
	p0 =	por $0x0, $0x0;
	s8 =	sadd.s32 s8, s9  }
0x13: {  	vm0 =	vmmov $0xff;
	vm1 =	vcmask $0x3F20;
	s9 =	sadd.s32 $0x200, s4;
	[sflag:s10] =	ssyncpa.u1 $0x0;
	s10 =	sadd.s32 $0x1, s8  }
.LBB2_6:
0x14: {  	[hbm:s17] =	stream.linear.scatter [tilespmem:s14], [sflag:$0x3], $0x400, $0x38;
	[tilespmem:$0x50A0] =	vst v63  }
.LBB2_7:
0x15: {  	s13 =	sadd.s32 $0x50, s11  }
0x16: {  	s15 =	smov.u32 s1;
	p2 =	slt.s32 s13, s3  }
0x17: {  	s15 =	smov.u32 @p2 s13;
	p2 =	sne.s32 s12, s10  }
.Ltmp1:
0x18: {  	p1 =	slt.u32 s12, $0x2;
	(pc) =	sbr.rel @!p2 .LBB2_8-.Ltmp1, $4  }
0x19: {  	s14 =	simm.s32 @!p1 $0x3  }
0x1a: {  	s16 =	sadd.s32 $0x1, s12;
	_ =	swait.ge @!p1 [sflag:s14], $0x2800  }
0x1b: {  	p0 =	por !p0, !p0;
	s13 =	smov.u32 s11;
	[sflag:s14] =	ssyncset.done @!p1 $0x0  }
0x1c: {  	s12 =	smov.u32 s16;
	s11 =	smov.u32 s15;
	[sflag:s14] =	ssyncadd.s32 @!p1 $0xFFFFD800  }
.LBB2_1:
0x1d: {  	p1 =	sge.u32 s12, s8  }
0x1e: {  	s14 =	sxor.u32 @!p1 $0xFFFFFFFF, s12  }
0x1f: {  	s14 =	sand.u32 @!p1 $0x1, s14  }
0x20: {  	s14 =	smul.u32 @!p1 $0x140, s14  }
0x21: {  	s31 =	sadd.s32 $0xFFFFFFFF, s12;
	s15 =	sshrl.u32 @!p1 s11, $0x3  }
0x22: {  	s16 =	sand.u32 @!p1 $0x7, s11;
	s15 =	sadd.s32 @!p1 s4, s15;
	s14 =	sshrl.u32 @!p1 s14, $0x2  }
0x23: {  	[tilespmem:s14], [sflag:$0x2] =	stream.linear.gather @!p1 [hbm4b:s15+s16], $0x50, $0x38;
	[tilespmem:$0x50A0] =	vst v63  }
0x24: {  	p1 =	sge.u32 s31, s8  }
.Ltmp2:
0x25: {  	_ = 	snop;
	(pc) =	sbr.rel @p1 .LBB2_7-.Ltmp2, $1  }
0x26: {  	_ =	sdelay $0x3  }
0x27: {  	s14 =	simm.s32 $0x1  }
0x28: {  	s14 =	simm.s32 @!p0 $0x0  }
0x29: {  	s15 =	smul.u32 $0x140, s14  }
0x2a: {  	_ =	swait.ge [sflag:s7], $0x50  }
0x2b: {  	[sflag:s7] =	ssyncset.done $0x0;
	s16 =	sshrl.u32 s15, $0x2  }
0x2c: {  	[sflag:s7] =	ssyncadd.s32 $0xFFFFFFB0;
	s15 =	sadd.s32 $0x0, s16  }
0x2d: {  	v0 =	vld.msk [tilespmem:s15+$0x0 ss:$0x1], $0xffff;
	_ =	sdelay $0x4  }
0x2e: {  	vm2 =	vgt.s32 v0, $0x0  }
0x2f: {  	v0 =	vnsel vm2, $0x0, v0  }
0x30: {  	v0 =	vmin.u32 v0, $0x4E1F  }
0x31: {  	v0 =	vshll.u32 v0, $0x4  }
0x32: {  	s14 =	smul.u32 $0xA000, s14;
	_ =	sdelay $0x1  }
0x33: {  	s14 =	sshrl.u32 s14, $0x2  }
0x34: {  	s14 =	sor.u32 $0xA0, s14  }
0x35: {  	[tilespmem:s14], [sflag:$0x1] =	stream.indirect_vreg.gather [hbm:s9], $0x80, v0, vm0, $0x38;
	[tilespmem:$0x50A0] =	vst v63  }
0x36: {  	s17 =	sadd.s32 $0x10, s16;
	s15 =	sadd.s32 $0x400, s14  }
0x37: {  	[tilespmem:s15], [sflag:$0x1] =	stream.indirect_vreg.gather [hbm:s9], $0x80, v0, vm1, $0x38;
	[tilespmem:$0x50A0] =	vst v63  }
0x38: {  	s18 =	simm.s32 $0x80;
	v0 =	vld.msk [tilespmem:s17+$0x0 ss:$0x1], $0xffff;
	s17 =	smov.u32 s14  }
.LBB2_3:
0x39: {  	p1 =	sne.s32 s18, $0x100;
	_ =	sdelay $0x4  }
0x3a: {  	vm2 =	vgt.s32 v0, $0x0  }
0x3b: {  	v0 =	vnsel vm2, $0x0, v0  }
0x3c: {  	v0 =	vmin.u32 v0, $0x4E1F  }
0x3d: {  	v0 =	vshll.u32 v0, $0x4;
	_ =	sdelay $0x3  }
.Ltmp3:
0x3e: {  	s19 =	sshra.s32 s18, $0x2;
	s17 =	sadd.s32 $0x800, s17;
	(pc) =	sbr.rel @p1 .LBB2_3-.Ltmp3, $4  }
0x3f: {  	[tilespmem:s17], [sflag:$0x1] =	stream.indirect_vreg.gather [hbm:s9], $0x80, v0, vm0, $0x38;
	[tilespmem:$0x50A0] =	vst v63  }
0x40: {  	s19 =	sadd.s32 s19, s16;
	s20 =	sadd.s32 $0x400, s17  }
0x41: {  	[tilespmem:s20], [sflag:$0x1] =	stream.indirect_vreg.gather [hbm:s9], $0x80, v0, vm1, $0x38;
	[tilespmem:$0x50A0] =	vst v63  }
0x42: {  	s18 =	sadd.s32 $0x40, s18;
	v0 =	vld.msk [tilespmem:s19+$0x0 ss:$0x1], $0xffff  }
0x43: {  	_ =	sdelay $0x3  }
0x44: {  	vm2 =	vgt.s32 v0, $0x0  }
0x45: {  	v0 =	vnsel vm2, $0x0, v0  }
0x46: {  	v0 =	vmin.u32 v0, $0x4E1F  }
0x47: {  	v0 =	vshll.u32 v0, $0x4;
	_ =	sdelay $0x3  }
0x48: {  	s16 =	sadd.s32 $0x800, s17  }
0x49: {  	[tilespmem:s16], [sflag:$0x1] =	stream.indirect_vreg.gather [hbm:s9], $0x80, v0, vm0, $0x38;
	[tilespmem:$0x50A0] =	vst v63  }
0x4a: {  	s16 =	sadd.s32 $0x400, s16  }
0x4b: {  	[tilespmem:s16], [sflag:$0x1] =	stream.indirect_vreg.gather [hbm:s9], $0x80, v0, vm1, $0x38;
	[tilespmem:$0x50A0] =	vst v63  }
0x4c: {  	s13 =	sshll.u32 s13, $0x4;
	_ =	swait.ge [sflag:s6], $0x2800  }
0x4d: {  	s13 =	sadd.s32 s13, s5;
	[sflag:s6] =	ssyncset.done $0x0  }
0x4e: {  	s17 =	sadd.s32 $0x0, s13;
	s16 =	simm.s32 $0x80;
	[sflag:s6] =	ssyncadd.s32 $0xFFFFD800  }
.LBB2_5:
0x4f: {  	[hbm:s17] =	stream.linear.scatter [tilespmem:s14], [sflag:$0x3], $0x400, $0x38;
	[tilespmem:$0x50A0] =	vst v63  }
0x50: {  	s17 =	smov.u32 s16;
	s14 =	smov.u32 s15;
	p1 =	sne.s32 s16, $0x480  }
.Ltmp4:
0x51: {  	s16 =	sadd.s32 $0x80, s16;
	(pc) =	sbr.rel @p1 .LBB2_5-.Ltmp4, $2  }
0x52: {  	_ =	sdelay $0x2  }
0x53: {  	s15 =	sadd.s32 $0x400, s15;
	s17 =	sadd.s32 s17, s13  }
.Ltmp5:
0x54: {  	_ = 	snop;
	(pc) =	sbr.rel .LBB2_6-.Ltmp5, $1  }
0x55: {  	_ =	sdelay $0x3  }
.LBB2_8:
0x56: {  	_ =	sfence.sel $0x180000  }
0x57: {  	s1 =	simm.s32 $0x2;
	[bflag:$0x0] =	sbarrier.arrive $0xFFFF  }
0x58: {  	s30 =	simm.s32 $0x3;
	[sflag:s1] =	ssyncpa.u1 $0x1  }
0x59: {  	s31 =	simm.s32 $0x1;
	[sflag:s30] =	ssyncpa.u1 $0x1  }
0x5a: {  	[sflag:s31] =	ssyncpa.u1 $0x1  }
0x5b: {  	p0 =	sne.s32 s0, $0x0;
	_ =	strace $0x90000047  }
0x5c: {  	s0 =	sadd.s32 @!p0 $0x100000, s2;
	[bflag:$0x2] =	sbarrier.arrive $0xFFFF  }
0x5d: {  	[sflag:s0] =	ssyncadd.tile.s32 @!p0 $0x1;
	_ =	shalt  }
.Lfunc_end2:
_tile_overlayer_lowered:
.L_overlay_start_2:
0x5e: {  	(tag) =	ssettag $0x2  }
0x5f: {  	s0 =	rddreg [dreg:$0x0];
	s2 =	stileid.u32  }
0x60: {  	s1 =	rddreg [dreg:$0x1];
	p0 =	sne.s32 s2, $0x0  }
0x61: {  	s3 =	rddreg [dreg:$0x2];
	[bflag:$0x3] =	sbarrier.arrive $0xFFFF;
	s2 =	simm.s32 @!p0 $0x1C01  }
0x62: {  	[timem:s3], [sflag:s2] =	dma.local @!p0 [hbm:s0], s1  }
0x63: {  	s0 =	simm.s32 @!p0 $0x1  }
0x64: {  	_ =	swait.ge @!p0 [sflag:s0], s1  }
0x65: {  	s1 =	ssub.s32 @!p0 $0x0, s1;
	[sflag:s0] =	ssyncset.done @!p0 $0x0  }
0x66: {  	[sflag:s0] =	ssyncadd.s32 @!p0 s1  }
0x67: {  	[bflag:$0x3] =	sbarrier.arrive $0xFFFF  }
0x68: {  	_ =	shalt  }

</sc_bundles>
